<compile_context>
chip_gen: v7x
topology: tpu7x:2x2x1
jax: 0.10.2.dev20260603
libtpu: 0.0.44.dev20260713+nightly
codegen_flags: <defaults>
</compile_context>

<pallas_src>
import functools

import jax
import jax.numpy as jnp
from jax import lax
from jax.experimental import pallas as pl
from jax.experimental.pallas import tpu as pltpu
from jax.experimental.pallas import tpu_sc as plsc

_D = 128
_BN = 4096
_T = 50
_B = _BN * _T
_NC, _NS = 2, 16
_NW = _NC * _NS
_PER_W = _B // _NW
_C = 128
_K = 1
_NCH = _PER_W // _C
_NGRP = _NCH // _K


@functools.partial(
    pl.kernel,
    out_type=jax.ShapeDtypeStruct((_B, _D), jnp.float32),
    mesh=plsc.VectorSubcoreMesh(core_axis_name="c", subcore_axis_name="s"),
    scratch_types=[
        pltpu.VMEM((_NCH, _C), jnp.int32),
        pltpu.VMEM((2, _K * _C, _D), jnp.float32),
    ] + [pltpu.SemaphoreType.DMA] * (2 * _K + 2),
)
def _emb_gather(table_hbm, idx_hbm, out_hbm, idx_v, bufs, *sems):
    gsems = (sems[0:_K], sems[_K:2 * _K])
    ssems = sems[2 * _K:2 * _K + 2]
    wid = lax.axis_index("s") * _NC + lax.axis_index("c")
    base = wid * _PER_W
    pltpu.sync_copy(idx_hbm.at[wid], idx_v)

    def process(g, h_cur, h_nxt):
        for b in range(_K):
            pltpu.make_async_copy(table_hbm.at[idx_v.at[0]],
                                  bufs.at[h_cur, pl.ds(b * _C, _C)],
                                  gsems[h_cur][b]).wait()
        pltpu.async_copy(bufs.at[h_cur],
                         out_hbm.at[pl.ds(base + g * _K * _C, _K * _C)],
                         ssems[h_cur])

        @pl.when(g + 1 < _NGRP)
        def _issue():
            @pl.when(g > 0)
            def _drain():
                pltpu.make_async_copy(bufs.at[h_nxt],
                                      out_hbm.at[pl.ds(base, _K * _C)],
                                      ssems[h_nxt]).wait()
            for b in range(_K):
                jn = (g + 1) * _K + b
                pltpu.async_copy(table_hbm.at[idx_v.at[jn]],
                                 bufs.at[h_nxt, pl.ds(b * _C, _C)],
                                 gsems[h_nxt][b])

    for b in range(_K):
        pltpu.async_copy(table_hbm.at[idx_v.at[b]],
                         bufs.at[0, pl.ds(b * _C, _C)], gsems[0][b])

    def loop_body(gg, carry):
        process(2 * gg, 0, 1)
        process(2 * gg + 1, 1, 0)
        return carry

    lax.fori_loop(0, _NGRP // 2, loop_body, 0)

    for h in range(2):
        pltpu.make_async_copy(bufs.at[h],
                              out_hbm.at[pl.ds(base, _K * _C)],
                              ssems[h]).wait()


def _lin_body(x_ref, w_ref, o_ref):
    o_ref[:] = lax.dot_general(
        x_ref[:], w_ref[:], (((1,), (1,)), ((), ())),
        preferred_element_type=jnp.float32)


def _linear(x, w):
    return pl.pallas_call(
        _lin_body,
        out_shape=jax.ShapeDtypeStruct(x.shape, jnp.float32),
        grid=(8,),
        in_specs=[
            pl.BlockSpec((x.shape[0] // 8, _D), lambda i: (i, 0)),
            pl.BlockSpec((_D, _D), lambda i: (0, 0)),
        ],
        out_specs=pl.BlockSpec((x.shape[0] // 8, _D), lambda i: (i, 0)),
    )(x, w)


def kernel(token_ids, dense_feat, embedding_weight, linear_weight):
    idx = token_ids.astype(jnp.int32).T.reshape(_NW, _NCH, _C)
    flat = _emb_gather(embedding_weight, idx)
    emb_out = flat.reshape(_T, _BN, _D).transpose(1, 0, 2)
    lin_out = _linear(dense_feat.astype(jnp.float32), linear_weight)
    return emb_out, lin_out

# --- scband reference (transcript-rebuilt; emitter-appended) ---
"""Pipeline reference for scband-toy-mixed-embedding-model-25563645346134 (READ-ONLY COPY).

The authoritative reference and input builder live on the scoring server;
editing this copy changes nothing except your own understanding.
"""

import jax, jax.numpy as jnp
import numpy as np

VOCAB = 100000
DIM = 128

def setup_inputs(seed: int = 0) -> dict:
    key = jax.random.key(seed)
    k1, k2 = jax.random.split(key)
    token_ids = jax.random.randint(k1, (4096, 50), 0, VOCAB, dtype=jnp.int64)
    dense_feat = jax.random.normal(k2, (4096, 128), dtype=jnp.float32)
    # Deterministic parameters per the module's __init__
    embedding_weight = (jnp.arange(VOCAB * DIM, dtype=jnp.float32).reshape(VOCAB, DIM)) / float(VOCAB)
    linear_weight = jnp.eye(DIM, dtype=jnp.float32)
    return {
        "token_ids": token_ids,
        "dense_feat": dense_feat,
        "embedding_weight": embedding_weight,
        "linear_weight": linear_weight,
    }

def reference(token_ids, dense_feat, embedding_weight, linear_weight):
    # int-dtype dict entries -> embedding lookup; float entries -> linear (no bias)
    emb_out = jnp.take(embedding_weight, token_ids, axis=0)
    lin_out = dense_feat.astype(jnp.float32) @ linear_weight.T
    return (emb_out, lin_out)

if __name__ == "__main__":
    import jax
    _d = setup_inputs()
    print(jax.jit(kernel)(*tuple(_d.values())))

</pallas_src>

<mosaic_0001>
#map = affine_map<(d0, d1) -> (0, 0)>
#map1 = affine_map<(d0, d1) -> (0, 0, 0)>
module attributes {stable_mosaic.version = 14 : i64} {
  func.func @_emb_gather(%arg0: i32, %arg1: i32, %arg2: memref<100000x128xf32, #tpu.memory_space<hbm>>, %arg3: memref<32x50x128xi32, #tpu.memory_space<hbm>>, %arg4: memref<204800x128xf32, #tpu.memory_space<hbm>>, %arg5: memref<50x128xi32, #tpu.memory_space<vmem>>, %arg6: memref<2x128x128xf32, #tpu.memory_space<vmem>>, %arg7: memref<!tpu.dma_semaphore, #tpu.memory_space<semaphore_mem>>, %arg8: memref<!tpu.dma_semaphore, #tpu.memory_space<semaphore_mem>>, %arg9: memref<!tpu.dma_semaphore, #tpu.memory_space<semaphore_mem>>, %arg10: memref<!tpu.dma_semaphore, #tpu.memory_space<semaphore_mem>>) attributes {dimension_semantics = [#tpu.dimension_semantics<core_parallel>, #tpu.dimension_semantics<subcore_parallel>], iteration_bounds = array<i64: 2, 16>, scalar_prefetch = 0 : i64, scratch_operands = 6 : i64, tpu.core_type = #tpu.core_type<sc_vector_subcore>, window_params = [{transform_indices = #map}, {transform_indices = #map1}, {transform_indices = #map}]} {
    %mul3A = arith.constant 2 : i32
    %mul3A_0 = arith.muli %arg1, %mul3A : i32
    %add3A = arith.addi %mul3A_0, %arg0 : i32
    %mul3A_1 = arith.constant 6400 : i32
    %mul3A_2 = arith.muli %add3A, %mul3A_1 : i32
    "tpu.region"() ({
      %run_scoped3A = tpu.sem_alloc : memref<!tpu.dma_semaphore, #tpu.memory_space<semaphore_mem>>
      %dma_start3A_44 = arith.constant 0 : i32
      %dma_start3A_45 = arith.constant 0 : i32
      %dma_start3A_46 = tpu.memref_slice %arg3[%add3A, %dma_start3A_44, %dma_start3A_45] : memref<32x50x128xi32, #tpu.memory_space<hbm>> -> memref<1x50x128xi32, #tpu.memory_space<hbm>>
      %dma_start3A_47 = tpu.memref_squeeze %dma_start3A_46 : memref<1x50x128xi32, #tpu.memory_space<hbm>> -> memref<50x128xi32, #tpu.memory_space<hbm>>
      %dma_start3A_48 = arith.constant 0 : i32
      %dma_start3A_49 = arith.constant 0 : i32
      %dma_start3A_50 = tpu.memref_slice %arg3[%add3A, %dma_start3A_48, %dma_start3A_49] : memref<32x50x128xi32, #tpu.memory_space<hbm>> -> memref<1x50x128xi32, #tpu.memory_space<hbm>>
      %dma_start3A_51 = tpu.memref_squeeze %dma_start3A_50 : memref<1x50x128xi32, #tpu.memory_space<hbm>> -> memref<50x128xi32, #tpu.memory_space<hbm>>
      tpu.enqueue_dma source(%dma_start3A_51 : memref<50x128xi32, #tpu.memory_space<hbm>>) target(%arg5 : memref<50x128xi32, #tpu.memory_space<vmem>>) target_semaphore(%run_scoped3A : memref<!tpu.dma_semaphore, #tpu.memory_space<semaphore_mem>>)
      %dma_wait3A_52 = arith.constant 0 : i32
      %dma_wait3A_53 = arith.constant 0 : i32
      %dma_wait3A_54 = tpu.memref_slice %arg3[%add3A, %dma_wait3A_52, %dma_wait3A_53] : memref<32x50x128xi32, #tpu.memory_space<hbm>> -> memref<1x50x128xi32, #tpu.memory_space<hbm>>
      %dma_wait3A_55 = tpu.memref_squeeze %dma_wait3A_54 : memref<1x50x128xi32, #tpu.memory_space<hbm>> -> memref<50x128xi32, #tpu.memory_space<hbm>>
      %dma_wait3A_56 = arith.constant 0 : i32
      %dma_wait3A_57 = arith.constant 0 : i32
      %dma_wait3A_58 = tpu.memref_slice %arg3[%add3A, %dma_wait3A_56, %dma_wait3A_57] : memref<32x50x128xi32, #tpu.memory_space<hbm>> -> memref<1x50x128xi32, #tpu.memory_space<hbm>>
      %dma_wait3A_59 = tpu.memref_squeeze %dma_wait3A_58 : memref<1x50x128xi32, #tpu.memory_space<hbm>> -> memref<50x128xi32, #tpu.memory_space<hbm>>
      tpu.wait_dma2 semaphore(%run_scoped3A : memref<!tpu.dma_semaphore, #tpu.memory_space<semaphore_mem>>) src(%dma_wait3A_59 : memref<50x128xi32, #tpu.memory_space<hbm>>) dst(%arg5 : memref<50x128xi32, #tpu.memory_space<vmem>>)
      tpu.yield
    }) : () -> ()
    %dma_start3A = arith.constant 0 : i32
    %dma_start3A_3 = arith.constant 0 : i32
    %dma_start3A_4 = arith.constant 0 : i32
    %dma_start3A_5 = arith.constant 0 : i32
    %dma_start3A_6 = tpu.memref_slice %arg6[%dma_start3A_3, %dma_start3A_4, %dma_start3A_5] : memref<2x128x128xf32, #tpu.memory_space<vmem>> -> memref<1x128x128xf32, #tpu.memory_space<vmem>>
    %dma_start3A_7 = tpu.memref_squeeze %dma_start3A_6 : memref<1x128x128xf32, #tpu.memory_space<vmem>> -> memref<128x128xf32, #tpu.memory_space<vmem>>
    %dma_start3A_8 = arith.constant 0 : i32
    %dma_start3A_9 = tpu.memref_slice %arg5[%dma_start3A, %dma_start3A_8] : memref<50x128xi32, #tpu.memory_space<vmem>> -> memref<1x128xi32, #tpu.memory_space<vmem>>
    %dma_start3A_10 = tpu.memref_squeeze %dma_start3A_9 : memref<1x128xi32, #tpu.memory_space<vmem>> -> memref<128xi32, #tpu.memory_space<vmem>>
    %dma_start3A_11 = arith.constant 0 : i32
    %dma_start3A_12 = arith.constant 0 : i32
    %dma_start3A_13 = tpu.memref_slice %arg2[%dma_start3A_11, %dma_start3A_12] : memref<100000x128xf32, #tpu.memory_space<hbm>> -> memref<100000x128xf32, #tpu.memory_space<hbm>>
    tpu.enqueue_indirect_dma source(%dma_start3A_13 : memref<100000x128xf32, #tpu.memory_space<hbm>>) target(%dma_start3A_7 : memref<128x128xf32, #tpu.memory_space<vmem>>) offsets(%dma_start3A_10 : memref<128xi32, #tpu.memory_space<vmem>>) semaphore(%arg7 : memref<!tpu.dma_semaphore, #tpu.memory_space<semaphore_mem>>)
    %scan3A = arith.constant 0 : i32
    %scan3A_14 = arith.constant 0 : i32
    %scan3A_15 = arith.constant 25 : i32
    %scan3A_16 = arith.addi %scan3A_14, %scan3A_15 : i32
    %scan3A_17 = arith.constant 1 : i32
    scf.for %scan3A_44 = %scan3A_14 to %scan3A_16 step %scan3A_17  : i32 {
      %mul3A_45 = arith.constant 2 : i32
      %mul3A_46 = arith.muli %mul3A_45, %scan3A_44 : i32
      %dma_wait3A_47 = arith.constant 0 : i32
      %dma_wait3A_48 = arith.constant 0 : i32
      %dma_wait3A_49 = arith.constant 0 : i32
      %dma_wait3A_50 = arith.constant 0 : i32
      %dma_wait3A_51 = tpu.memref_slice %arg6[%dma_wait3A_48, %dma_wait3A_49, %dma_wait3A_50] : memref<2x128x128xf32, #tpu.memory_space<vmem>> -> memref<1x128x128xf32, #tpu.memory_space<vmem>>
      %dma_wait3A_52 = tpu.memref_squeeze %dma_wait3A_51 : memref<1x128x128xf32, #tpu.memory_space<vmem>> -> memref<128x128xf32, #tpu.memory_space<vmem>>
      %dma_wait3A_53 = arith.constant 0 : i32
      %dma_wait3A_54 = tpu.memref_slice %arg5[%dma_wait3A_47, %dma_wait3A_53] : memref<50x128xi32, #tpu.memory_space<vmem>> -> memref<1x128xi32, #tpu.memory_space<vmem>>
      %dma_wait3A_55 = tpu.memref_squeeze %dma_wait3A_54 : memref<1x128xi32, #tpu.memory_space<vmem>> -> memref<128xi32, #tpu.memory_space<vmem>>
      %dma_wait3A_56 = arith.constant 0 : i32
      %dma_wait3A_57 = arith.constant 0 : i32
      %dma_wait3A_58 = tpu.memref_slice %arg2[%dma_wait3A_56, %dma_wait3A_57] : memref<100000x128xf32, #tpu.memory_space<hbm>> -> memref<100000x128xf32, #tpu.memory_space<hbm>>
      tpu.wait_indirect_dma semaphore(%arg7 : memref<!tpu.dma_semaphore, #tpu.memory_space<semaphore_mem>>) src(%dma_wait3A_58 : memref<100000x128xf32, #tpu.memory_space<hbm>>) dst(%dma_wait3A_52 : memref<128x128xf32, #tpu.memory_space<vmem>>)
      %mul3A_59 = arith.constant 1 : i32
      %mul3A_60 = arith.muli %mul3A_46, %mul3A_59 : i32
      %mul3A_61 = arith.constant 128 : i32
      %mul3A_62 = arith.muli %mul3A_60, %mul3A_61 : i32
      %add3A_63 = arith.addi %mul3A_2, %mul3A_62 : i32
      %dma_start3A_64 = arith.constant 0 : i32
      %dma_start3A_65 = arith.constant 0 : i32
      %dma_start3A_66 = arith.constant 0 : i32
      %dma_start3A_67 = tpu.memref_slice %arg6[%dma_start3A_64, %dma_start3A_65, %dma_start3A_66] : memref<2x128x128xf32, #tpu.memory_space<vmem>> -> memref<1x128x128xf32, #tpu.memory_space<vmem>>
      %dma_start3A_68 = tpu.memref_squeeze %dma_start3A_67 : memref<1x128x128xf32, #tpu.memory_space<vmem>> -> memref<128x128xf32, #tpu.memory_space<vmem>>
      %dma_start3A_69 = arith.constant 0 : i32
      %dma_start3A_70 = tpu.memref_slice %arg4[%add3A_63, %dma_start3A_69] : memref<204800x128xf32, #tpu.memory_space<hbm>> -> memref<128x128xf32, #tpu.memory_space<hbm>>
      %dma_start3A_71 = arith.constant 0 : i32
      %dma_start3A_72 = tpu.memref_slice %arg4[%add3A_63, %dma_start3A_71] : memref<204800x128xf32, #tpu.memory_space<hbm>> -> memref<128x128xf32, #tpu.memory_space<hbm>>
      %dma_start3A_73 = arith.constant 0 : i32
      %dma_start3A_74 = arith.constant 0 : i32
      %dma_start3A_75 = tpu.memref_slice %arg6[%dma_start3A_64, %dma_start3A_73, %dma_start3A_74] : memref<2x128x128xf32, #tpu.memory_space<vmem>> -> memref<1x128x128xf32, #tpu.memory_space<vmem>>
      %dma_start3A_76 = tpu.memref_squeeze %dma_start3A_75 : memref<1x128x128xf32, #tpu.memory_space<vmem>> -> memref<128x128xf32, #tpu.memory_space<vmem>>
      tpu.enqueue_dma source(%dma_start3A_76 : memref<128x128xf32, #tpu.memory_space<vmem>>) target(%dma_start3A_72 : memref<128x128xf32, #tpu.memory_space<hbm>>) target_semaphore(%arg9 : memref<!tpu.dma_semaphore, #tpu.memory_space<semaphore_mem>>)
      %add3A_77 = arith.constant 1 : i32
      %add3A_78 = arith.addi %mul3A_46, %add3A_77 : i32
      %lt3A = arith.constant 50 : i32
      %lt3A_79 = arith.cmpi slt, %add3A_78, %lt3A : i32
      %convert_element_type3A = arith.extui %lt3A_79 : i1 to i32
      %cond3A = arith.constant 0 : i32
      %cond3A_80 = arith.cmpi ne, %convert_element_type3A, %cond3A : i32
      scf.if %cond3A_80 {
        %gt3A = arith.constant 0 : i32
        %gt3A_122 = arith.cmpi sgt, %mul3A_46, %gt3A : i32
        %convert_element_type3A_123 = arith.extui %gt3A_122 : i1 to i32
        %cond3A_124 = arith.constant 0 : i32
        %cond3A_125 = arith.cmpi ne, %convert_element_type3A_123, %cond3A_124 : i32
        scf.if %cond3A_125 {
          %dma_wait3A_143 = arith.constant 1 : i32
          %dma_wait3A_144 = arith.constant 0 : i32
          %dma_wait3A_145 = arith.constant 0 : i32
          %dma_wait3A_146 = tpu.memref_slice %arg6[%dma_wait3A_143, %dma_wait3A_144, %dma_wait3A_145] : memref<2x128x128xf32, #tpu.memory_space<vmem>> -> memref<1x128x128xf32, #tpu.memory_space<vmem>>
          %dma_wait3A_147 = tpu.memref_squeeze %dma_wait3A_146 : memref<1x128x128xf32, #tpu.memory_space<vmem>> -> memref<128x128xf32, #tpu.memory_space<vmem>>
          %dma_wait3A_148 = arith.constant 0 : i32
          %dma_wait3A_149 = tpu.memref_slice %arg4[%mul3A_2, %dma_wait3A_148] : memref<204800x128xf32, #tpu.memory_space<hbm>> -> memref<128x128xf32, #tpu.memory_space<hbm>>
          %dma_wait3A_150 = arith.constant 0 : i32
          %dma_wait3A_151 = tpu.memref_slice %arg4[%mul3A_2, %dma_wait3A_150] : memref<204800x128xf32, #tpu.memory_space<hbm>> -> memref<128x128xf32, #tpu.memory_space<hbm>>
          %dma_wait3A_152 = arith.constant 0 : i32
          %dma_wait3A_153 = arith.constant 0 : i32
          %dma_wait3A_154 = tpu.memref_slice %arg6[%dma_wait3A_143, %dma_wait3A_152, %dma_wait3A_153] : memref<2x128x128xf32, #tpu.memory_space<vmem>> -> memref<1x128x128xf32, #tpu.memory_space<vmem>>
          %dma_wait3A_155 = tpu.memref_squeeze %dma_wait3A_154 : memref<1x128x128xf32, #tpu.memory_space<vmem>> -> memref<128x128xf32, #tpu.memory_space<vmem>>
          tpu.wait_dma2 semaphore(%arg10 : memref<!tpu.dma_semaphore, #tpu.memory_space<semaphore_mem>>) src(%dma_wait3A_155 : memref<128x128xf32, #tpu.memory_space<vmem>>) dst(%dma_wait3A_151 : memref<128x128xf32, #tpu.memory_space<hbm>>)
        } else {
        }
        %add3A_126 = arith.constant 1 : i32
        %add3A_127 = arith.addi %mul3A_46, %add3A_126 : i32
        %mul3A_128 = arith.constant 1 : i32
        %mul3A_129 = arith.muli %add3A_127, %mul3A_128 : i32
        %add3A_130 = arith.constant 0 : i32
        %add3A_131 = arith.addi %mul3A_129, %add3A_130 : i32
        %dma_start3A_132 = arith.constant 1 : i32
        %dma_start3A_133 = arith.constant 0 : i32
        %dma_start3A_134 = arith.constant 0 : i32
        %dma_start3A_135 = tpu.memref_slice %arg6[%dma_start3A_132, %dma_start3A_133, %dma_start3A_134] : memref<2x128x128xf32, #tpu.memory_space<vmem>> -> memref<1x128x128xf32, #tpu.memory_space<vmem>>
        %dma_start3A_136 = tpu.memref_squeeze %dma_start3A_135 : memref<1x128x128xf32, #tpu.memory_space<vmem>> -> memref<128x128xf32, #tpu.memory_space<vmem>>
        %dma_start3A_137 = arith.constant 0 : i32
        %dma_start3A_138 = tpu.memref_slice %arg5[%add3A_131, %dma_start3A_137] : memref<50x128xi32, #tpu.memory_space<vmem>> -> memref<1x128xi32, #tpu.memory_space<vmem>>
        %dma_start3A_139 = tpu.memref_squeeze %dma_start3A_138 : memref<1x128xi32, #tpu.memory_space<vmem>> -> memref<128xi32, #tpu.memory_space<vmem>>
        %dma_start3A_140 = arith.constant 0 : i32
        %dma_start3A_141 = arith.constant 0 : i32
        %dma_start3A_142 = tpu.memref_slice %arg2[%dma_start3A_140, %dma_start3A_141] : memref<100000x128xf32, #tpu.memory_space<hbm>> -> memref<100000x128xf32, #tpu.memory_space<hbm>>
        tpu.enqueue_indirect_dma source(%dma_start3A_142 : memref<100000x128xf32, #tpu.memory_space<hbm>>) target(%dma_start3A_136 : memref<128x128xf32, #tpu.memory_space<vmem>>) offsets(%dma_start3A_139 : memref<128xi32, #tpu.memory_space<vmem>>) semaphore(%arg8 : memref<!tpu.dma_semaphore, #tpu.memory_space<semaphore_mem>>)
      } else {
      }
      %mul3A_81 = arith.constant 2 : i32
      %mul3A_82 = arith.muli %mul3A_81, %scan3A_44 : i32
      %add3A_83 = arith.constant 1 : i32
      %add3A_84 = arith.addi %mul3A_82, %add3A_83 : i32
      %dma_wait3A_85 = arith.constant 0 : i32
      %dma_wait3A_86 = arith.constant 1 : i32
      %dma_wait3A_87 = arith.constant 0 : i32
      %dma_wait3A_88 = arith.constant 0 : i32
      %dma_wait3A_89 = tpu.memref_slice %arg6[%dma_wait3A_86, %dma_wait3A_87, %dma_wait3A_88] : memref<2x128x128xf32, #tpu.memory_space<vmem>> -> memref<1x128x128xf32, #tpu.memory_space<vmem>>
      %dma_wait3A_90 = tpu.memref_squeeze %dma_wait3A_89 : memref<1x128x128xf32, #tpu.memory_space<vmem>> -> memref<128x128xf32, #tpu.memory_space<vmem>>
      %dma_wait3A_91 = arith.constant 0 : i32
      %dma_wait3A_92 = tpu.memref_slice %arg5[%dma_wait3A_85, %dma_wait3A_91] : memref<50x128xi32, #tpu.memory_space<vmem>> -> memref<1x128xi32, #tpu.memory_space<vmem>>
      %dma_wait3A_93 = tpu.memref_squeeze %dma_wait3A_92 : memref<1x128xi32, #tpu.memory_space<vmem>> -> memref<128xi32, #tpu.memory_space<vmem>>
      %dma_wait3A_94 = arith.constant 0 : i32
      %dma_wait3A_95 = arith.constant 0 : i32
      %dma_wait3A_96 = tpu.memref_slice %arg2[%dma_wait3A_94, %dma_wait3A_95] : memref<100000x128xf32, #tpu.memory_space<hbm>> -> memref<100000x128xf32, #tpu.memory_space<hbm>>
      tpu.wait_indirect_dma semaphore(%arg8 : memref<!tpu.dma_semaphore, #tpu.memory_space<semaphore_mem>>) src(%dma_wait3A_96 : memref<100000x128xf32, #tpu.memory_space<hbm>>) dst(%dma_wait3A_90 : memref<128x128xf32, #tpu.memory_space<vmem>>)
      %mul3A_97 = arith.constant 1 : i32
      %mul3A_98 = arith.muli %add3A_84, %mul3A_97 : i32
      %mul3A_99 = arith.constant 128 : i32
      %mul3A_100 = arith.muli %mul3A_98, %mul3A_99 : i32
      %add3A_101 = arith.addi %mul3A_2, %mul3A_100 : i32
      %dma_start3A_102 = arith.constant 1 : i32
      %dma_start3A_103 = arith.constant 0 : i32
      %dma_start3A_104 = arith.constant 0 : i32
      %dma_start3A_105 = tpu.memref_slice %arg6[%dma_start3A_102, %dma_start3A_103, %dma_start3A_104] : memref<2x128x128xf32, #tpu.memory_space<vmem>> -> memref<1x128x128xf32, #tpu.memory_space<vmem>>
      %dma_start3A_106 = tpu.memref_squeeze %dma_start3A_105 : memref<1x128x128xf32, #tpu.memory_space<vmem>> -> memref<128x128xf32, #tpu.memory_space<vmem>>
      %dma_start3A_107 = arith.constant 0 : i32
      %dma_start3A_108 = tpu.memref_slice %arg4[%add3A_101, %dma_start3A_107] : memref<204800x128xf32, #tpu.memory_space<hbm>> -> memref<128x128xf32, #tpu.memory_space<hbm>>
      %dma_start3A_109 = arith.constant 0 : i32
      %dma_start3A_110 = tpu.memref_slice %arg4[%add3A_101, %dma_start3A_109] : memref<204800x128xf32, #tpu.memory_space<hbm>> -> memref<128x128xf32, #tpu.memory_space<hbm>>
      %dma_start3A_111 = arith.constant 0 : i32
      %dma_start3A_112 = arith.constant 0 : i32
      %dma_start3A_113 = tpu.memref_slice %arg6[%dma_start3A_102, %dma_start3A_111, %dma_start3A_112] : memref<2x128x128xf32, #tpu.memory_space<vmem>> -> memref<1x128x128xf32, #tpu.memory_space<vmem>>
      %dma_start3A_114 = tpu.memref_squeeze %dma_start3A_113 : memref<1x128x128xf32, #tpu.memory_space<vmem>> -> memref<128x128xf32, #tpu.memory_space<vmem>>
      tpu.enqueue_dma source(%dma_start3A_114 : memref<128x128xf32, #tpu.memory_space<vmem>>) target(%dma_start3A_110 : memref<128x128xf32, #tpu.memory_space<hbm>>) target_semaphore(%arg10 : memref<!tpu.dma_semaphore, #tpu.memory_space<semaphore_mem>>)
      %add3A_115 = arith.constant 1 : i32
      %add3A_116 = arith.addi %add3A_84, %add3A_115 : i32
      %lt3A_117 = arith.constant 50 : i32
      %lt3A_118 = arith.cmpi slt, %add3A_116, %lt3A_117 : i32
      %convert_element_type3A_119 = arith.extui %lt3A_118 : i1 to i32
      %cond3A_120 = arith.constant 0 : i32
      %cond3A_121 = arith.cmpi ne, %convert_element_type3A_119, %cond3A_120 : i32
      scf.if %cond3A_121 {
        %gt3A = arith.constant 0 : i32
        %gt3A_122 = arith.cmpi sgt, %add3A_84, %gt3A : i32
        %convert_element_type3A_123 = arith.extui %gt3A_122 : i1 to i32
        %cond3A_124 = arith.constant 0 : i32
        %cond3A_125 = arith.cmpi ne, %convert_element_type3A_123, %cond3A_124 : i32
        scf.if %cond3A_125 {
          %dma_wait3A_143 = arith.constant 0 : i32
          %dma_wait3A_144 = arith.constant 0 : i32
          %dma_wait3A_145 = arith.constant 0 : i32
          %dma_wait3A_146 = tpu.memref_slice %arg6[%dma_wait3A_143, %dma_wait3A_144, %dma_wait3A_145] : memref<2x128x128xf32, #tpu.memory_space<vmem>> -> memref<1x128x128xf32, #tpu.memory_space<vmem>>
          %dma_wait3A_147 = tpu.memref_squeeze %dma_wait3A_146 : memref<1x128x128xf32, #tpu.memory_space<vmem>> -> memref<128x128xf32, #tpu.memory_space<vmem>>
          %dma_wait3A_148 = arith.constant 0 : i32
          %dma_wait3A_149 = tpu.memref_slice %arg4[%mul3A_2, %dma_wait3A_148] : memref<204800x128xf32, #tpu.memory_space<hbm>> -> memref<128x128xf32, #tpu.memory_space<hbm>>
          %dma_wait3A_150 = arith.constant 0 : i32
          %dma_wait3A_151 = tpu.memref_slice %arg4[%mul3A_2, %dma_wait3A_150] : memref<204800x128xf32, #tpu.memory_space<hbm>> -> memref<128x128xf32, #tpu.memory_space<hbm>>
          %dma_wait3A_152 = arith.constant 0 : i32
          %dma_wait3A_153 = arith.constant 0 : i32
          %dma_wait3A_154 = tpu.memref_slice %arg6[%dma_wait3A_143, %dma_wait3A_152, %dma_wait3A_153] : memref<2x128x128xf32, #tpu.memory_space<vmem>> -> memref<1x128x128xf32, #tpu.memory_space<vmem>>
          %dma_wait3A_155 = tpu.memref_squeeze %dma_wait3A_154 : memref<1x128x128xf32, #tpu.memory_space<vmem>> -> memref<128x128xf32, #tpu.memory_space<vmem>>
          tpu.wait_dma2 semaphore(%arg9 : memref<!tpu.dma_semaphore, #tpu.memory_space<semaphore_mem>>) src(%dma_wait3A_155 : memref<128x128xf32, #tpu.memory_space<vmem>>) dst(%dma_wait3A_151 : memref<128x128xf32, #tpu.memory_space<hbm>>)
        } else {
        }
        %add3A_126 = arith.constant 1 : i32
        %add3A_127 = arith.addi %add3A_84, %add3A_126 : i32
        %mul3A_128 = arith.constant 1 : i32
        %mul3A_129 = arith.muli %add3A_127, %mul3A_128 : i32
        %add3A_130 = arith.constant 0 : i32
        %add3A_131 = arith.addi %mul3A_129, %add3A_130 : i32
        %dma_start3A_132 = arith.constant 0 : i32
        %dma_start3A_133 = arith.constant 0 : i32
        %dma_start3A_134 = arith.constant 0 : i32
        %dma_start3A_135 = tpu.memref_slice %arg6[%dma_start3A_132, %dma_start3A_133, %dma_start3A_134] : memref<2x128x128xf32, #tpu.memory_space<vmem>> -> memref<1x128x128xf32, #tpu.memory_space<vmem>>
        %dma_start3A_136 = tpu.memref_squeeze %dma_start3A_135 : memref<1x128x128xf32, #tpu.memory_space<vmem>> -> memref<128x128xf32, #tpu.memory_space<vmem>>
        %dma_start3A_137 = arith.constant 0 : i32
        %dma_start3A_138 = tpu.memref_slice %arg5[%add3A_131, %dma_start3A_137] : memref<50x128xi32, #tpu.memory_space<vmem>> -> memref<1x128xi32, #tpu.memory_space<vmem>>
        %dma_start3A_139 = tpu.memref_squeeze %dma_start3A_138 : memref<1x128xi32, #tpu.memory_space<vmem>> -> memref<128xi32, #tpu.memory_space<vmem>>
        %dma_start3A_140 = arith.constant 0 : i32
        %dma_start3A_141 = arith.constant 0 : i32
        %dma_start3A_142 = tpu.memref_slice %arg2[%dma_start3A_140, %dma_start3A_141] : memref<100000x128xf32, #tpu.memory_space<hbm>> -> memref<100000x128xf32, #tpu.memory_space<hbm>>
        tpu.enqueue_indirect_dma source(%dma_start3A_142 : memref<100000x128xf32, #tpu.memory_space<hbm>>) target(%dma_start3A_136 : memref<128x128xf32, #tpu.memory_space<vmem>>) offsets(%dma_start3A_139 : memref<128xi32, #tpu.memory_space<vmem>>) semaphore(%arg7 : memref<!tpu.dma_semaphore, #tpu.memory_space<semaphore_mem>>)
      } else {
      }
    }
    %scan3A_18 = arith.constant 25 : i32
    %dma_wait3A = arith.constant 0 : i32
    %dma_wait3A_19 = arith.constant 0 : i32
    %dma_wait3A_20 = arith.constant 0 : i32
    %dma_wait3A_21 = tpu.memref_slice %arg6[%dma_wait3A, %dma_wait3A_19, %dma_wait3A_20] : memref<2x128x128xf32, #tpu.memory_space<vmem>> -> memref<1x128x128xf32, #tpu.memory_space<vmem>>
    %dma_wait3A_22 = tpu.memref_squeeze %dma_wait3A_21 : memref<1x128x128xf32, #tpu.memory_space<vmem>> -> memref<128x128xf32, #tpu.memory_space<vmem>>
    %dma_wait3A_23 = arith.constant 0 : i32
    %dma_wait3A_24 = tpu.memref_slice %arg4[%mul3A_2, %dma_wait3A_23] : memref<204800x128xf32, #tpu.memory_space<hbm>> -> memref<128x128xf32, #tpu.memory_space<hbm>>
    %dma_wait3A_25 = arith.constant 0 : i32
    %dma_wait3A_26 = tpu.memref_slice %arg4[%mul3A_2, %dma_wait3A_25] : memref<204800x128xf32, #tpu.memory_space<hbm>> -> memref<128x128xf32, #tpu.memory_space<hbm>>
    %dma_wait3A_27 = arith.constant 0 : i32
    %dma_wait3A_28 = arith.constant 0 : i32
    %dma_wait3A_29 = tpu.memref_slice %arg6[%dma_wait3A, %dma_wait3A_27, %dma_wait3A_28] : memref<2x128x128xf32, #tpu.memory_space<vmem>> -> memref<1x128x128xf32, #tpu.memory_space<vmem>>
    %dma_wait3A_30 = tpu.memref_squeeze %dma_wait3A_29 : memref<1x128x128xf32, #tpu.memory_space<vmem>> -> memref<128x128xf32, #tpu.memory_space<vmem>>
    tpu.wait_dma2 semaphore(%arg9 : memref<!tpu.dma_semaphore, #tpu.memory_space<semaphore_mem>>) src(%dma_wait3A_30 : memref<128x128xf32, #tpu.memory_space<vmem>>) dst(%dma_wait3A_26 : memref<128x128xf32, #tpu.memory_space<hbm>>)
    %dma_wait3A_31 = arith.constant 1 : i32
    %dma_wait3A_32 = arith.constant 0 : i32
    %dma_wait3A_33 = arith.constant 0 : i32
    %dma_wait3A_34 = tpu.memref_slice %arg6[%dma_wait3A_31, %dma_wait3A_32, %dma_wait3A_33] : memref<2x128x128xf32, #tpu.memory_space<vmem>> -> memref<1x128x128xf32, #tpu.memory_space<vmem>>
    %dma_wait3A_35 = tpu.memref_squeeze %dma_wait3A_34 : memref<1x128x128xf32, #tpu.memory_space<vmem>> -> memref<128x128xf32, #tpu.memory_space<vmem>>
    %dma_wait3A_36 = arith.constant 0 : i32
    %dma_wait3A_37 = tpu.memref_slice %arg4[%mul3A_2, %dma_wait3A_36] : memref<204800x128xf32, #tpu.memory_space<hbm>> -> memref<128x128xf32, #tpu.memory_space<hbm>>
    %dma_wait3A_38 = arith.constant 0 : i32
    %dma_wait3A_39 = tpu.memref_slice %arg4[%mul3A_2, %dma_wait3A_38] : memref<204800x128xf32, #tpu.memory_space<hbm>> -> memref<128x128xf32, #tpu.memory_space<hbm>>
    %dma_wait3A_40 = arith.constant 0 : i32
    %dma_wait3A_41 = arith.constant 0 : i32
    %dma_wait3A_42 = tpu.memref_slice %arg6[%dma_wait3A_31, %dma_wait3A_40, %dma_wait3A_41] : memref<2x128x128xf32, #tpu.memory_space<vmem>> -> memref<1x128x128xf32, #tpu.memory_space<vmem>>
    %dma_wait3A_43 = tpu.memref_squeeze %dma_wait3A_42 : memref<1x128x128xf32, #tpu.memory_space<vmem>> -> memref<128x128xf32, #tpu.memory_space<vmem>>
    tpu.wait_dma2 semaphore(%arg10 : memref<!tpu.dma_semaphore, #tpu.memory_space<semaphore_mem>>) src(%dma_wait3A_43 : memref<128x128xf32, #tpu.memory_space<vmem>>) dst(%dma_wait3A_39 : memref<128x128xf32, #tpu.memory_space<hbm>>)
    return
  }
}

module attributes {stable_mosaic.version = 14 : i64} {
  func.func @_lin_body(%arg0: i32, %arg1: memref<512x128xf32, #tpu.memory_space<vmem>>, %arg2: memref<128x128xf32, #tpu.memory_space<vmem>>, %arg3: memref<512x128xf32, #tpu.memory_space<vmem>>) attributes {dimension_semantics = [#tpu.dimension_semantics<arbitrary>], iteration_bounds = array<i64: 8>, scalar_prefetch = 0 : i64, scratch_operands = 0 : i64, tpu.core_type = #tpu.core_type<tc>, window_params = [{transform_indices = @transform_0, window_bounds = array<i64: 512, 128>}, {pipeline_mode = #tpu.pipeline_mode<synchronous>, transform_indices = @transform_1, window_bounds = array<i64: 128, 128>}, {transform_indices = @transform_2, window_bounds = array<i64: 512, 128>}]} {
    %get3A = arith.constant 0 : index
    %get3A_0 = arith.constant 0 : index
    %get3A_1 = vector.load %arg1[%get3A, %get3A_0] : memref<512x128xf32, #tpu.memory_space<vmem>>, vector<512x128xf32>
    %get3A_2 = arith.constant 0 : index
    %get3A_3 = arith.constant 0 : index
    %get3A_4 = vector.load %arg2[%get3A_2, %get3A_3] : memref<128x128xf32, #tpu.memory_space<vmem>>, vector<128x128xf32>
    %dot_general3A = arith.constant dense<0.000000e+00> : vector<512x128xf32>
    %dot_general3A_5 = tpu.matmul %get3A_1, %get3A_4, %dot_general3A {dimension_numbers = #tpu.dot_dimension_numbers<[1], [1], [0], [0], [0, 0, 1, 0], [], []>, transpose_lhs_hint = false} : vector<512x128xf32>, vector<128x128xf32>, vector<512x128xf32> -> vector<512x128xf32>
    %swap3A = arith.constant 0 : index
    %swap3A_6 = arith.constant 0 : index
    %swap3A_7 = vector.load %arg3[%swap3A, %swap3A_6] : memref<512x128xf32, #tpu.memory_space<vmem>>, vector<512x128xf32>
    tpu.vector_store %arg3[%swap3A, %swap3A_6], %dot_general3A_5 {strides = array<i32>} : memref<512x128xf32, #tpu.memory_space<vmem>>, vector<512x128xf32>,
    return
  }
  func.func @transform_0(%arg0: i32) -> (i32, i32) {
    %c0_i32 = arith.constant 0 : i32
    %c0_i32_0 = arith.constant 0 : i32
    return %arg0, %c0_i32 : i32, i32
  }
  func.func @transform_1(%arg0: i32) -> (i32, i32) {
    %c0_i32 = arith.constant 0 : i32
    %c0_i32_0 = arith.constant 0 : i32
    %c0_i32_1 = arith.constant 0 : i32
    return %c0_i32, %c0_i32_0 : i32, i32
  }
  func.func @transform_2(%arg0: i32) -> (i32, i32) {
    %c0_i32 = arith.constant 0 : i32
    %c0_i32_0 = arith.constant 0 : i32
    return %arg0, %c0_i32 : i32, i32
  }
}

</mosaic_0001>

<sc_bundles>
// kernel: kernel.4.cloned.1.call-start
scs
__scs_entry_jumppad:
0x0: {  	(pc) =	sbr.rel $0x88, $3  }
0x1: {  	(tag) =	ssettag $0x0;
	lr =	simm.s32 $0x1  }
0x2: {  	[smem:$0x3F9D] =	sst lr;
	_ =	strace $0xD0000000  }
0x3: {  	_ = 	snop  }
0x4: {  	_ = 	snop  }
0x5: {  	_ = 	snop  }
0x6: {  	_ = 	snop  }
0x7: {  	_ = 	snop  }
__scs_overlays_trampoline_lowered:
0x8: {  	[smem:$0x3FAC] =	sst s0  }
0x9: {  	[smem:$0x3FAD] =	sst s1  }
0xa: {  	[smem:$0x3FAE] =	sst s2  }
0xb: {  	[smem:$0x3FAF] =	sst s3  }
0xc: {  	[smem:$0x3FB0] =	sst s4  }
0xd: {  	[smem:$0x3FB1] =	sst s5  }
0xe: {  	[smem:$0x3FB2] =	sst s6  }
0xf: {  	[smem:$0x3FB3] =	sst s7  }
0x10: {  	[smem:$0x3FB4] =	sst s8  }
0x11: {  	[smem:$0x3FB5] =	sst s9;
	s0 =	simm.s32 @!p0 $0x0  }
0x12: {  	s1 =	sld [smem:$0x3F9B];
	s0 =	simm.s32 @p0 $0x1  }
0x13: {  	[smem:$0x3FB6] =	sst s0;
	s0 =	simm.s32 @!p1 $0x0  }
0x14: {  	s2 =	sld [smem:$0x3F9A];
	s0 =	simm.s32 @p1 $0x1  }
0x15: {  	[smem:$0x3FB7] =	sst s0;
	s0 =	simm.s32 @!p2 $0x0  }
0x16: {  	s3 =	sld [smem:$0x3FDB];
	s0 =	simm.s32 @p2 $0x1  }
0x17: {  	s4 =	simm.s32 $0x1BF5;
	[smem:$0x3FB9] =	sst s0  }
0x18: {  	s0 =	sld [smem:$0x3F9C];
	_ =	swait.ge [sflag:s4], $0x0  }
0x19: {  	s7 =	sld [smem:$0x3F9D]  }
0x1a: {  	s8 =	sadd.s32 $0xFFFFE003, lr  }
0x1b: {  	s9 =	sadd.s32 $0xFFFFFEF7, lr;
	s5 =	simm.s32 $0xFFFFFFFF;
	p2 =	slt.u32 s8, $0xFFFFF086  }
0x1c: {  	p1 =	slt.u32 s9, $0xF7A;
	s5 =	simm.s32 @!p2 $0x0  }
0x1d: {  	s5 =	simm.s32 @p1 $0x1;
	p0 =	seq.s32 s7, s2  }
0x1e: {  	s7 =	smul.u32 @!p0 $0xF7A, s2;
	p2 =	seq.s32 @!p0 s5, $0x0  }
0x1f: {  	s9 =	smul.u32 $0xF7A, s1;
	s8 =	simm.s32 @!p0 $0x1BF5;
	p2 =	por !p2, p0  }
0x20: {  	[sflag:s8] =	ssyncset.s32 @!p0 $0xFFFFF086;
	s6 =	sadd.s32 @!p0 s3, s7;
	s7 =	simm.s32 @!p0 $0x108  }
0x21: {  	s3 =	sadd.s32 s3, s9;
	s6 =	sadd.s32 @!p0 $0x88, s6;
	s7 =	simm.s32 @p2 $0x1082  }
0x22: {  	[simem:s7], [sflag:s8] =	dma.local @!p0 [hbm:s6], $0xF7A  }
0x23: {  	s9 =	sor.u32 $0xD0000000, s2;
	s6 =	simm.s32 $0x108;
	_ =	swait.ge @!p0 [sflag:s8], $0x0  }
0x24: {  	s3 =	sadd.s32 $0x88, s3;
	s6 =	simm.s32 @!p1 $0x1082;
	[sflag:s4] =	ssyncset.s32 $0xFFFFF086  }
0x25: {  	[simem:s6], [sflag:s4] =	dma.local [hbm:s3], $0xF7A  }
0x26: {  	[smem:$0x3F9D] =	sst s1;
	(tag) =	ssettag s2;
	_ =	strace s9  }
0x27: {  	s1 =	sld [smem:$0x3FAD]  }
0x28: {  	s2 =	sld [smem:$0x3FAE]  }
0x29: {  	s4 =	sld [smem:$0x3FB0]  }
0x2a: {  	p0 =	seq.s32 s5, $0x0;
	s5 =	sld [smem:$0x3FB1]  }
0x2b: {  	s6 =	sld [smem:$0x3FB2]  }
0x2c: {  	s7 =	sld [smem:$0x3FB3]  }
0x2d: {  	s3 =	simm.s32 $0x108;
	s8 =	sld [smem:$0x3FB4]  }
0x2e: {  	s3 =	simm.s32 @!p0 $0x1082;
	s9 =	sld [smem:$0x3FB5]  }
0x2f: {  	lr =	sadd.s32 s0, s3;
	s0 =	sld [smem:$0x3FAC]  }
0x30: {  	s3 =	sld [smem:$0x3FAF]  }
0x31: {  	[smem:$0x3FB8] =	sst s10  }
0x32: {  	s10 =	sld [smem:$0x3FB6];
	_ =	sdelay $0x3  }
0x33: {  	p0 =	seq.s32 s10, $0x1;
	s10 =	sld [smem:$0x3FB8];
	_ =	sdelay $0x3  }
0x34: {  	[smem:$0x3FB8] =	sst s10  }
0x35: {  	s10 =	sld [smem:$0x3FB7];
	_ =	sdelay $0x3  }
0x36: {  	p1 =	seq.s32 s10, $0x1;
	s10 =	sld [smem:$0x3FB8];
	_ =	sdelay $0x3  }
0x37: {  	[smem:$0x3FB8] =	sst s10  }
0x38: {  	s10 =	sld [smem:$0x3FB9]  }
0x39: {  	_ = 	snop;
	(pc) =	sbr.ind lr, $3  }
0x3a: {  	_ = 	snop  }
0x3b: {  	_ = 	snop  }
0x3c: {  	p2 =	seq.s32 s10, $0x1;
	s10 =	sld [smem:$0x3FB8]  }
0x3d: {  	_ =	shalt  }
0x3e: {  	_ =	shalt  }
0x3f: {  	_ =	shalt  }
0x40: {  	_ =	shalt  }
0x41: {  	_ =	shalt  }
0x42: {  	_ =	shalt  }
0x43: {  	_ =	shalt  }
0x44: {  	_ =	shalt  }
0x45: {  	_ =	shalt  }
0x46: {  	_ =	shalt  }
0x47: {  	_ =	shalt  }
0x48: {  	_ =	shalt  }
0x49: {  	_ =	shalt  }
0x4a: {  	_ =	shalt  }
0x4b: {  	_ =	shalt  }
0x4c: {  	_ =	shalt  }
0x4d: {  	_ =	shalt  }
0x4e: {  	_ =	shalt  }
0x4f: {  	_ =	shalt  }
0x50: {  	_ =	shalt  }
0x51: {  	_ =	shalt  }
0x52: {  	_ =	shalt  }
0x53: {  	_ =	shalt  }
0x54: {  	_ =	shalt  }
0x55: {  	_ =	shalt  }
0x56: {  	_ =	shalt  }
0x57: {  	_ =	shalt  }
0x58: {  	_ =	shalt  }
0x59: {  	_ =	shalt  }
0x5a: {  	_ =	shalt  }
0x5b: {  	_ =	shalt  }
0x5c: {  	_ =	shalt  }
0x5d: {  	_ =	shalt  }
0x5e: {  	_ =	shalt  }
0x5f: {  	_ =	shalt  }
0x60: {  	_ =	shalt  }
0x61: {  	_ =	shalt  }
0x62: {  	_ =	shalt  }
0x63: {  	_ =	shalt  }
0x64: {  	_ =	shalt  }
0x65: {  	_ =	shalt  }
0x66: {  	_ =	shalt  }
0x67: {  	_ =	shalt  }
0x68: {  	_ =	shalt  }
0x69: {  	_ =	shalt  }
0x6a: {  	_ =	shalt  }
0x6b: {  	_ =	shalt  }
0x6c: {  	_ =	shalt  }
0x6d: {  	_ =	shalt  }
0x6e: {  	_ =	shalt  }
0x6f: {  	_ =	shalt  }
0x70: {  	_ =	shalt  }
0x71: {  	_ =	shalt  }
0x72: {  	_ =	shalt  }
0x73: {  	_ =	shalt  }
0x74: {  	_ =	shalt  }
0x75: {  	_ =	shalt  }
0x76: {  	_ =	shalt  }
0x77: {  	_ =	shalt  }
0x78: {  	_ =	shalt  }
0x79: {  	_ =	shalt  }
0x7a: {  	_ =	shalt  }
0x7b: {  	_ =	shalt  }
0x7c: {  	_ =	shalt  }
0x7d: {  	_ =	shalt  }
0x7e: {  	_ =	shalt  }
0x7f: {  	_ =	shalt  }
0x80: {  	_ =	shalt  }
0x81: {  	_ =	shalt  }
0x82: {  	_ =	shalt  }
0x83: {  	_ =	shalt  }
0x84: {  	_ =	shalt  }
0x85: {  	_ =	shalt  }
0x86: {  	_ =	shalt  }
0x87: {  	_ =	shalt  }
.Lfunc_end0:
.L_simem_size_0:
called_computation_lowered:
.L_overlay_start_0:
0x88: {  	s2 =	sld [smem:$0x3FD9]  }
0x89: {  	s3 =	sld [smem:$0x3FFE];
	_ =	sdelay $0x1  }
0x8a: {  	s1 =	srdreg.scid  }
0x8b: {  	s0 =	sand.u32 $0x1, s1  }
0x8c: {  	s14 =	sshll.u32 s0, $0xA;
	s2 =	sadd.s32 s3, s2  }
0x8d: {  	s2 =	sadd.s32 s2, s14  }
0x8e: {  	[smem:$0x3FC4] =	sst s2  }
0x8f: {  	_ = 	snop  }
0x90: {  	s2 =	sld [smem:$0x3FD0];
	_ =	sdelay $0x2  }
0x91: {  	s4 =	simm.s32 $0xA;
	s5 =	simm.s32 $0x10;
	s15 =	sld [smem:$0x3FC7]  }
0x92: {  	[smem:s5], [sflag:s4] =	dma.local [hbm:s2], $0x1  }
0x93: {  	_ =	swait.eq [sflag:s4], $0x1  }
0x94: {  	[sflag:s4] =	ssyncset.done $0x0  }
0x95: {  	[sflag:s4] =	ssyncadd.s32 $0xFFFFFFFF  }
0x96: {  	s16 =	sld [smem:$0x10];
	(tm) =	ssettm $0x1  }
0x97: {  	s17 =	sld [smem:$0x3FFB];
	_ =	sdelay $0x3  }
0x98: {  	_ =	strace s17  }
0x99: {  	s4 =	sld [smem:$0x3FFC];
	_ =	sdelay $0x3  }
0x9a: {  	_ =	strace s4  }
0x9b: {  	s4 =	sld [smem:$0x3FFD];
	_ =	sdelay $0x3  }
0x9c: {  	_ =	strace s4  }
0x9d: {  	_ =	strace $0x8FFFFFFF  }
0x9e: {  	s18 =	sld [smem:$0x3FDB];
	_ =	sdelay $0x1  }
0x9f: {  	s19 =	simm.s32 $_scs_section_size  }
0xa0: {  	s6 =	simm.s32 $_size__tile_overlayer_lowered;
	s7 =	simm.s32 $_tile_overlayer_lowered  }
0xa1: {  	s22 =	simm.s32 $0x1BFF;
	s21 =	sshll.u32 s7, $0x1;
	s4 =	sadd.s32 s19, s18  }
0xa2: {  	s8 =	simm.s32 $0x0;
	s20 =	sshll.u32 s6, $0x1;
	s6 =	sadd.s32 s21, s4  }
0xa3: {  	[timem:s8], [sflag:s22] =	dma.local [hbm:s6], s20  }
0xa4: {  	_ =	swait.ge [sflag:s22], s20  }
0xa5: {  	s5 =	ssub.s32 $0x0, s20;
	[sflag:s22] =	ssyncset.done $0x0  }
0xa6: {  	[sflag:s22] =	ssyncadd.s32 s5;
	_ =	sdelay $0x1  }
0xa7: {  	s23 =	simm.s32 $0x1B8B  }
0xa8: {  	_ =	swait.ge [sflag:s23], $0x1  }
0xa9: {  	[sflag:s23] =	ssyncset.done $0x0  }
0xaa: {  	s25 =	simm.s32 $0x1B8E;
	s24 =	sld [smem:$0x3FFE];
	[sflag:s23] =	ssyncadd.s32 $0xFFFFFFFF  }
0xab: {  	s26 =	simm.s32 $execute0_lowered;
	[smem:$0x3FD2] =	sst s25  }
0xac: {  	s6 =	sshll.u32 s26, $0x1;
	_ =	strace $0x80000046;
	[dreg:$0x1] =	wrdreg $0xFFFFFFFF  }
0xad: {  	s28 =	simm.s32 $_size_execute0_lowered;
	s4 =	sadd.s32 s4, s6;
	[dreg:$0x0] =	wrdreg $0x0  }
0xae: {  	s6 =	sshll.u32 s28, $0x1;
	[dreg:$0x2] =	wrdreg s4  }
0xaf: {  	[dreg:$0x3] =	wrdreg s6  }
0xb0: {  	[dreg:$0x4] =	wrdreg $0xC0  }
0xb1: {  	_ =	task [dreg:s8], $0x5FFFF  }
0xb2: {  	[dreg:$0x1] =	wrdreg $0xFFFFFFFF  }
0xb3: {  	[dreg:$0x0] =	wrdreg $0x60  }
0xb4: {  	[dreg:$0x2] =	wrdreg s15  }
0xb5: {  	[dreg:$0x3] =	wrdreg s24  }
0xb6: {  	[dreg:$0x4] =	wrdreg s16  }
0xb7: {  	[dreg:$0x5] =	wrdreg $0x9  }
0xb8: {  	_ =	task.clear_ibuf [dreg:s8], $0x6FFFF;
	_ =	strace $0x90000046  }
0xb9: {  	s29 =	simm.s32 $0x9;
	_ =	strace $0x80000048  }
0xba: {  	_ =	swait.ge [sflag:s29], $0x1  }
0xbb: {  	[sflag:s29] =	ssyncadd.s32 $0xFFFFFFFF  }
0xbc: {  	_ =	strace $0x90000048  }
0xbd: {  	_ =	sfence  }
0xbe: {  	s30 =	sld [smem:$0x0];
	_ =	sdelay $0x2  }
0xbf: {  	s31 =	sshll.u32 s1, $0xD;
	s1 =	sshrl.u32 s1, $0x2  }
0xc0: {  	s3 =	sand.u32 $0x4000, s31;
	s1 =	sadd.s32 s1, s30  }
0xc1: {  	s0 =	sor.u32 s3, s0;
	s1 =	sshll.u32 s1, $0x11  }
0xc2: {  	s0 =	sor.u32 s1, s0  }
0xc3: {  	s0 =	sadd.s32 $0x8F2B, s0  }
0xc4: {  	[sflag:s0] =	ssyncadd.remote.s32 $0x1  }
0xc5: {  	_ =	sfence.sel $0xFFFF  }
0xc6: {  	[dreg:$0x0] =	wrdreg $0xFFFFFFFF;
	(pc) =	sbr.abs _section_cstart, $3  }
0xc7: {  	[dreg:$0x1] =	wrdreg $0xFFFFFFFF  }
0xc8: {  	_ =	task.clear_ibuf [dreg:s8], $0x2FFFF;
	_ =	strace $0x9FFFFFFF  }
0xc9: {  	(tm) =	ssettm $0x7FFFFFFF  }
tec
execute0_lowered:
.L_overlay_start_1:
0x0: {  	(tag) =	ssettag $0x1  }
0x1: {  	s2 =	rddreg [dreg:$0x0]  }
0x2: {  	s1 =	srdreg.scid;
	s6 =	rddreg [dreg:$0x1]  }
0x3: {  	s0 =	stileid.u32;
	s3 =	rddreg [dreg:$0x2]  }
0x4: {  	s4 =	simm.s32 $0x0;
	s11 =	simm.s32 $0x5;
	s12 =	simm.s32 $0x80  }
0x5: {  	s13 =	simm.s32 $0x1C00;
	s14 =	simm.s32 $0x1;
	s15 =	simm.s32 $0x5C00  }
0x6: {  	s16 =	simm.s32 $0x2;
	s17 =	simm.s32 $0x3;
	s18 =	simm.s32 $0x100  }
0x7: {  	s5 =	sand.u32 $0x1, s1;
	s29 =	sshll.u32 s0, $0x1;
	s9 =	smul.u32 $0x190000, s0  }
0x8: {  	s1 =	sor.u32 s5, s29;
	s10 =	ssub.s32 $0x2, s5;
	s5 =	smul.u32 $0xC8000, s5  }
0x9: {  	s19 =	simm.s32 $0x4;
	[smem:$0x7FF] =	sst s4;
	s7 =	smul.u32 $0x380, s1  }
0xa: {  	s20 =	simm.s32 $0x0;
	s8 =	smul.u32 $0xC8000, s1;
	s1 =	rddreg [dreg:$0x3]  }
.Ltmp0:
0xb: {  	_ =	strace $0x80000047;
	s30 =	sshrl.u32 s10, $0x1;
	(pc) =	sbr.rel .LBB2_1-.Ltmp0, $4  }
0xc: {  	s9 =	sadd.s32 s5, s9;
	s6 =	sadd.s32 s7, s6;
	s7 =	ssub.s32 s10, s30  }
0xd: {  	s8 =	sshrl.u32 s8, $0x3;
	s31 =	sadd.s32 $0xC000, s9;
	s9 =	sadd.s32 $0x8000, s9  }
0xe: {  	s5 =	sadd.s32 $0x800, s6;
	s6 =	sadd.s32 s3, s8;
	s10 =	sshrl.u32 s31, $0x3  }
0xf: {  	s7 =	smax.u32 s7, $0x1;
	s8 =	sadd.s32 $0x800, s6;
	s10 =	sadd.s32 s10, s3  }
.LBB2_4:
0x10: {  	s20 =	sadd.s32 $0x1, s20  }
0x11: {  	p0 =	sne.s32 s20, s7  }
.Ltmp1:
0x12: {  	_ = 	snop;
	(pc) =	sbr.rel @!p0 .LBB2_5-.Ltmp1, $4  }
0x13: {  	_ = 	snop  }
0x14: {  	_ =	swait.ge [sflag:s19], $0x4000  }
0x15: {  	[sflag:s19] =	ssyncset.done $0x0  }
0x16: {  	[sflag:s19] =	ssyncadd.s32 $0xFFFFC000  }
.LBB2_1:
0x17: {  	[tilespmem:s4], [sflag:$0x5] =	stream.linear.gather [hbm4b:s5+s4], $0x1900, $0x38;
	[tilespmem:$0x9C00] =	vst v63  }
0x18: {  	_ =	swait.ge [sflag:s11], $0x1900  }
0x19: {  	[sflag:s11] =	ssyncset.done $0x0  }
0x1a: {  	[sflag:s11] =	ssyncadd.s32 $0xFFFFE700  }
0x1b: {  	[tilespmem:s13], [sflag:$0x1] =	stream.indirect.gather [hbm4b:s2+s12], $0x80, s4, s12, $0xb8;
	[tilespmem:$0x9C00] =	vst v63  }
0x1c: {  	_ =	swait.ge [sflag:s14], $0x4000  }
0x1d: {  	[sflag:s14] =	ssyncset.done $0x0  }
0x1e: {  	[sflag:s14] =	ssyncadd.s32 $0xFFFFC000  }
0x1f: {  	[hbm4b:s6+s4] =	stream.linear.scatter [tilespmem:s13], [sflag:$0x3], $0x4000, $0x38;
	[tilespmem:$0x9C00] =	vst v63  }
0x20: {  	_ = 	snop  }
0x21: {  	[tilespmem:s15], [sflag:$0x2] =	stream.indirect.gather [hbm4b:s2+s12], $0x80, s12, s12, $0xb8;
	[tilespmem:$0x9C00] =	vst v63  }
0x22: {  	_ =	swait.ge [sflag:s16], $0x4000  }
0x23: {  	[sflag:s16] =	ssyncset.done $0x0  }
0x24: {  	[sflag:s16] =	ssyncadd.s32 $0xFFFFC000  }
0x25: {  	[hbm4b:s8+s4] =	stream.linear.scatter [tilespmem:s15], [sflag:$0x4], $0x4000, $0x38;
	[tilespmem:$0x9C00] =	vst v63  }
0x26: {  	_ =	swait.ge [sflag:s17], $0x4000  }
0x27: {  	s21 =	simm.s32 $0x200;
	[sflag:s17] =	ssyncset.done $0x0  }
0x28: {  	s22 =	simm.s32 $0x0;
	s23 =	smov.u32 s9;
	[sflag:s17] =	ssyncadd.s32 $0xFFFFC000  }
0x29: {  	[tilespmem:s13], [sflag:$0x1] =	stream.indirect.gather [hbm4b:s2+s12], $0x80, s18, s12, $0xb8;
	[tilespmem:$0x9C00] =	vst v63  }
.LBB2_2:
0x2a: {  	_ =	swait.ge [sflag:s14], $0x4000  }
0x2b: {  	s24 =	sshrl.u32 s23, $0x3;
	[sflag:s14] =	ssyncset.done $0x0  }
0x2c: {  	s24 =	sadd.s32 s3, s24;
	[sflag:s14] =	ssyncadd.s32 $0xFFFFC000  }
0x2d: {  	[hbm4b:s24+s4] =	stream.linear.scatter [tilespmem:s13], [sflag:$0x3], $0x4000, $0x38;
	[tilespmem:$0x9C00] =	vst v63  }
0x2e: {  	_ =	swait.ge [sflag:s19], $0x4000  }
0x2f: {  	[sflag:s19] =	ssyncset.done $0x0  }
0x30: {  	s30 =	sadd.s32 $0xFFFFFF80, s21;
	[sflag:s19] =	ssyncadd.s32 $0xFFFFC000  }
0x31: {  	[tilespmem:s15], [sflag:$0x2] =	stream.indirect.gather [hbm4b:s2+s12], $0x80, s30, s12, $0xb8;
	[tilespmem:$0x9C00] =	vst v63  }
0x32: {  	_ =	swait.ge [sflag:s16], $0x4000  }
0x33: {  	p0 =	seq.s32 s22, $0x17000;
	[sflag:s16] =	ssyncset.done $0x0  }
.Ltmp2:
0x34: {  	s31 =	sadd.s32 s22, s10;
	[sflag:s16] =	ssyncadd.s32 $0xFFFFC000;
	(pc) =	sbr.rel @p0 .LBB2_4-.Ltmp2, $4  }
0x35: {  	[hbm4b:s31+s4] =	stream.linear.scatter [tilespmem:s15], [sflag:$0x4], $0x4000, $0x38;
	[tilespmem:$0x9C00] =	vst v63  }
0x36: {  	_ =	swait.ge [sflag:s17], $0x4000  }
0x37: {  	[sflag:s17] =	ssyncset.done $0x0  }
0x38: {  	[sflag:s17] =	ssyncadd.s32 $0xFFFFC000  }
.Ltmp3:
0x39: {  	(pc) =	sbr.rel .LBB2_2-.Ltmp3, $3  }
0x3a: {  	_ =	sdelay $0x1  }
0x3b: {  	[tilespmem:s13], [sflag:$0x1] =	stream.indirect.gather [hbm4b:s2+s12], $0x80, s21, s12, $0xb8;
	[tilespmem:$0x9C00] =	vst v63  }
0x3c: {  	s21 =	sadd.s32 $0x100, s21;
	s23 =	sadd.s32 $0x8000, s23;
	s22 =	sadd.s32 $0x1000, s22  }
.LBB2_5:
0x3d: {  	_ =	sfence.sel $0x180000  }
0x3e: {  	[bflag:$0x0] =	sbarrier.arrive $0xFFFF  }
0x3f: {  	p0 =	sne.s32 s0, $0x0;
	_ =	strace $0x90000047  }
0x40: {  	s0 =	sadd.s32 @!p0 $0x100000, s1;
	[bflag:$0x2] =	sbarrier.arrive $0xFFFF  }
0x41: {  	[sflag:s0] =	ssyncadd.tile.s32 @!p0 $0x1;
	_ =	shalt  }
.Lfunc_end2:
_tile_overlayer_lowered:
.L_overlay_start_2:
0x42: {  	(tag) =	ssettag $0x2  }
0x43: {  	s0 =	rddreg [dreg:$0x0];
	s2 =	stileid.u32  }
0x44: {  	s1 =	rddreg [dreg:$0x1];
	p0 =	sne.s32 s2, $0x0  }
0x45: {  	s3 =	rddreg [dreg:$0x2];
	[bflag:$0x3] =	sbarrier.arrive $0xFFFF;
	s2 =	simm.s32 @!p0 $0x1C05  }
0x46: {  	[timem:s3], [sflag:s2] =	dma.local @!p0 [hbm:s0], s1  }
0x47: {  	s0 =	simm.s32 @!p0 $0x5  }
0x48: {  	_ =	swait.ge @!p0 [sflag:s0], s1  }
0x49: {  	s1 =	ssub.s32 @!p0 $0x0, s1;
	[sflag:s0] =	ssyncset.done @!p0 $0x0  }
0x4a: {  	[sflag:s0] =	ssyncadd.s32 @!p0 s1  }
0x4b: {  	[bflag:$0x3] =	sbarrier.arrive $0xFFFF  }
0x4c: {  	_ =	shalt  }

</sc_bundles>
